<compile_context>
chip_gen: v7x
topology: tpu7x:2x2x1
jax: 0.10.2.dev20260603
libtpu: 0.0.44.dev20260713+nightly
codegen_flags: <defaults>
</compile_context>

<pallas_src>
import functools

import jax
import jax.numpy as jnp
from jax import lax
from jax.experimental import pallas as pl
from jax.experimental.pallas import tpu as pltpu
from jax.experimental.pallas import tpu_sc as plsc

EMB = 128
N_X = 10000
N_EA = 320000
NC, NS = 2, 16
NW = NC * NS

X_PAD = 10240
N_SC_ROWS = 2 * X_PAD
PER_W = N_SC_ROWS // NW
CH = 128
NCH = PER_W // CH
NBUF = 5
N_TAB = 288

TB = 32768
NBTC = -(-N_EA // TB)
EA_PAD = NBTC * TB


def _fire_gather(table, idx_v, c, rows_v, sem):
    pltpu.async_copy(table.at[idx_v.at[pl.ds(c * CH, CH)]], rows_v, sem)


def _wait_gather(table, rows_v, sem):
    pltpu.make_async_copy(table.at[pl.ds(0, CH)], rows_v, sem).wait()


def _fire_out(rows_v, out, wbase, c, sem):
    pltpu.async_copy(rows_v, out.at[pl.ds(wbase + c * CH, CH)], sem)


def _wait_out(rows_v, out, wbase, sem):
    pltpu.make_async_copy(rows_v, out.at[pl.ds(wbase, CH)], sem).wait()


def _sc_body(idx_hbm, table_hbm, out_hbm, idx_v, table_s, *bufs_and_sems):
    rows = bufs_and_sems[:NBUF]
    gsem = bufs_and_sems[NBUF:2 * NBUF]
    osem = bufs_and_sems[2 * NBUF:3 * NBUF]
    sid = lax.axis_index("s")
    wid = sid * NC + lax.axis_index("c")
    wbase = wid * PER_W

    @pl.when(sid == 0)
    def _():
        pltpu.sync_copy(table_hbm, table_s)

    pltpu.sync_copy(idx_hbm.at[pl.ds(wbase, PER_W)], idx_v)
    plsc.subcore_barrier()

    for b in range(NBUF):
        _fire_gather(table_s, idx_v, b, rows[b], gsem[b])

    def step(k, carry):
        c0 = k * NBUF
        for b in range(NBUF):
            _wait_gather(table_s, rows[b], gsem[b])
            _fire_out(rows[b], out_hbm, wbase, c0 + b, osem[b])
        for b in range(NBUF):
            _wait_out(rows[b], out_hbm, wbase, osem[b])
            _fire_gather(table_s, idx_v, c0 + NBUF + b, rows[b], gsem[b])
        return carry

    lax.fori_loop(0, NCH // NBUF - 1, step, 0)

    c0 = NCH - NBUF
    for b in range(NBUF):
        _wait_gather(table_s, rows[b], gsem[b])
        _fire_out(rows[b], out_hbm, wbase, c0 + b, osem[b])
    for b in range(NBUF):
        _wait_out(rows[b], out_hbm, wbase, osem[b])


_sc_gather = functools.partial(
    pl.kernel,
    out_type=jax.ShapeDtypeStruct((N_SC_ROWS, EMB), jnp.float32),
    scratch_types=(
        [pltpu.VMEM((PER_W,), jnp.int32),
         pltpu.VMEM_SHARED((N_TAB, EMB), jnp.float32)]
        + [pltpu.VMEM((CH, EMB), jnp.float32)] * NBUF
        + [pltpu.SemaphoreType.DMA] * (2 * NBUF)
    ),
    mesh=plsc.VectorSubcoreMesh(core_axis_name="c", subcore_axis_name="s"),
    compiler_params=pltpu.CompilerParams(needs_layout_passes=False),
)(_sc_body)


def _tc_body(idx_ref, tab_ref, out_ref):
    idx = idx_ref[0, 0, :]
    oh = ((lax.broadcasted_iota(jnp.int32, (TB, 32), 1) & 15)
          == idx[:, None]).astype(jnp.bfloat16)
    out_ref[...] = jax.lax.dot(oh, tab_ref[...],
                               preferred_element_type=jnp.float32)


_tc_lookup = pl.pallas_call(
    _tc_body,
    grid=(NBTC,),
    in_specs=[
        pl.BlockSpec((1, 1, TB), lambda i: (i, 0, 0)),
        pl.BlockSpec((32, EMB), lambda i: (0, 0)),
    ],
    out_specs=pl.BlockSpec((TB, EMB), lambda i: (i, 0)),
    out_shape=jax.ShapeDtypeStruct((N_EA, EMB), jnp.float32),
)


def kernel(x, edge_attr, tuplefeat, x_table, ea_table, tf_table):
    pair_table = jnp.concatenate(
        [jnp.repeat(tf_table, 16, axis=0), jnp.tile(tf_table, (16, 1))], axis=1)
    sc_table = jnp.concatenate([x_table, pair_table], axis=0)

    tf = tuplefeat.astype(jnp.int32)
    tf_i = tf[:, 0] * 16 + tf[:, 1] + 32
    pad = jnp.zeros((X_PAD - N_X,), jnp.int32)
    sc_idx = jnp.concatenate([
        x.reshape(-1).astype(jnp.int32), pad,
        tf_i, pad,
    ])

    ea_idx = jnp.concatenate([
        edge_attr.astype(jnp.int32),
        jnp.zeros((EA_PAD - N_EA,), jnp.int32),
    ]).reshape(NBTC, 1, TB)

    ea_hi = ea_table.astype(jnp.bfloat16)
    ea_lo = (ea_table - ea_hi.astype(jnp.float32)).astype(jnp.bfloat16)
    ea_hilo = jnp.concatenate([ea_hi, ea_lo], axis=0)

    sc_out = _sc_gather(sc_idx, sc_table)
    out_ea = _tc_lookup(ea_idx, ea_hilo)
    sc_out, out_ea = lax.optimization_barrier((sc_out, out_ea))
    return (sc_out[:N_X],
            out_ea,
            sc_out[X_PAD:X_PAD + N_X])

# --- scband reference (transcript-rebuilt; emitter-appended) ---
"""Pipeline reference for scband-input-encoder-7696581394712 (READ-ONLY COPY).

The authoritative reference and input builder live on the scoring server;
editing this copy changes nothing except your own understanding.
"""

import jax, jax.numpy as jnp
import numpy as np

EMB_DIM = 128
N_NODES = 10000
N_EDGES = 320000

def setup_inputs(seed: int = 0) -> dict:
    key = jax.random.key(seed)
    k1, k2, k3, k4, k5, k6 = jax.random.split(key, 6)
    x = jax.random.randint(k1, (N_NODES,), 0, 32, dtype=jnp.int64 if jax.config.jax_enable_x64 else jnp.int32)
    edge_attr = jax.random.randint(k2, (N_EDGES,), 0, 16, dtype=jnp.int32)
    tuplefeat = jax.random.randint(k3, (N_NODES, 2), 0, 16, dtype=jnp.int32)
    # Learned parameters (nn.Embedding tables), sized per init_kwargs
    x_table = jax.random.normal(k4, (32, EMB_DIM), dtype=jnp.float32)
    ea_table = jax.random.normal(k5, (16, EMB_DIM), dtype=jnp.float32)
    tf_table = jax.random.normal(k6, (16, EMB_DIM // 2), dtype=jnp.float32)
    return {"x": x, "edge_attr": edge_attr, "tuplefeat": tuplefeat,
            "x_table": x_table, "ea_table": ea_table, "tf_table": tf_table}

def reference(x, edge_attr, tuplefeat, x_table, ea_table, tf_table):
    # datadict['x'] = self.x_encoder(datadict['x'].flatten())
    out_x = jnp.take(x_table, x.reshape(-1), axis=0)
    # datadict['edge_attr'] = self.ea_encoder(datadict['edge_attr'])
    out_ea = jnp.take(ea_table, edge_attr, axis=0)
    # datadict['tuplefeat'] = self.tuplefeat_encoder(datadict['tuplefeat']).flatten(-2, -1)
    tf = jnp.take(tf_table, tuplefeat, axis=0)  # [N, 2, emb_dim//2]
    out_tf = tf.reshape(tf.shape[:-2] + (tf.shape[-2] * tf.shape[-1],))  # [N, emb_dim]
    return (out_x, out_ea, out_tf)

if __name__ == "__main__":
    import jax
    _d = setup_inputs()
    print(jax.jit(kernel)(*tuple(_d.values())))

</pallas_src>

<mosaic_0001>
#map = affine_map<(d0, d1) -> (0)>
#map1 = affine_map<(d0, d1) -> (0, 0)>
module attributes {stable_mosaic.version = 14 : i64} {
  func.func @_sc_body(%arg0: i32, %arg1: i32, %arg2: memref<20480xi32, #tpu.memory_space<hbm>>, %arg3: memref<288x128xf32, #tpu.memory_space<hbm>>, %arg4: memref<20480x128xf32, #tpu.memory_space<hbm>>, %arg5: memref<640xi32, #tpu.memory_space<vmem>>, %arg6: memref<288x128xf32, #tpu.memory_space<vmem_shared>>, %arg7: memref<128x128xf32, #tpu.memory_space<vmem>>, %arg8: memref<128x128xf32, #tpu.memory_space<vmem>>, %arg9: memref<128x128xf32, #tpu.memory_space<vmem>>, %arg10: memref<128x128xf32, #tpu.memory_space<vmem>>, %arg11: memref<128x128xf32, #tpu.memory_space<vmem>>, %arg12: memref<!tpu.dma_semaphore, #tpu.memory_space<semaphore_mem>>, %arg13: memref<!tpu.dma_semaphore, #tpu.memory_space<semaphore_mem>>, %arg14: memref<!tpu.dma_semaphore, #tpu.memory_space<semaphore_mem>>, %arg15: memref<!tpu.dma_semaphore, #tpu.memory_space<semaphore_mem>>, %arg16: memref<!tpu.dma_semaphore, #tpu.memory_space<semaphore_mem>>, %arg17: memref<!tpu.dma_semaphore, #tpu.memory_space<semaphore_mem>>, %arg18: memref<!tpu.dma_semaphore, #tpu.memory_space<semaphore_mem>>, %arg19: memref<!tpu.dma_semaphore, #tpu.memory_space<semaphore_mem>>, %arg20: memref<!tpu.dma_semaphore, #tpu.memory_space<semaphore_mem>>, %arg21: memref<!tpu.dma_semaphore, #tpu.memory_space<semaphore_mem>>) attributes {dimension_semantics = [#tpu.dimension_semantics<core_parallel>, #tpu.dimension_semantics<subcore_parallel>], iteration_bounds = array<i64: 2, 16>, scalar_prefetch = 0 : i64, scratch_operands = 17 : i64, tpu.core_type = #tpu.core_type<sc_vector_subcore>, window_params = [{transform_indices = #map}, {transform_indices = #map1}, {transform_indices = #map1}]} {
    %mul3A = arith.constant 2 : i32
    %mul3A_0 = arith.muli %arg1, %mul3A : i32
    %add3A = arith.addi %mul3A_0, %arg0 : i32
    %mul3A_1 = arith.constant 640 : i32
    %mul3A_2 = arith.muli %add3A, %mul3A_1 : i32
    %eq3A = arith.constant 0 : i32
    %eq3A_3 = arith.cmpi eq, %arg1, %eq3A : i32
    %convert_element_type3A = arith.extui %eq3A_3 : i1 to i32
    %cond3A = arith.constant 0 : i32
    %cond3A_4 = arith.cmpi ne, %convert_element_type3A, %cond3A : i32
    scf.if %cond3A_4 {
      "tpu.region"() ({
        %run_scoped3A = tpu.sem_alloc : memref<!tpu.dma_semaphore, #tpu.memory_space<semaphore_mem>>
        tpu.enqueue_dma source(%arg3 : memref<288x128xf32, #tpu.memory_space<hbm>>) target(%arg6 : memref<288x128xf32, #tpu.memory_space<vmem_shared>>) target_semaphore(%run_scoped3A : memref<!tpu.dma_semaphore, #tpu.memory_space<semaphore_mem>>)
        tpu.wait_dma2 semaphore(%run_scoped3A : memref<!tpu.dma_semaphore, #tpu.memory_space<semaphore_mem>>) src(%arg3 : memref<288x128xf32, #tpu.memory_space<hbm>>) dst(%arg6 : memref<288x128xf32, #tpu.memory_space<vmem_shared>>)
        tpu.yield
      }) : () -> ()
    } else {
    }
    "tpu.region"() ({
      %run_scoped3A = tpu.sem_alloc : memref<!tpu.dma_semaphore, #tpu.memory_space<semaphore_mem>>
      %dma_start3A_112 = tpu.memref_slice %arg2[%mul3A_2] : memref<20480xi32, #tpu.memory_space<hbm>> -> memref<640xi32, #tpu.memory_space<hbm>>
      %dma_start3A_113 = tpu.memref_slice %arg2[%mul3A_2] : memref<20480xi32, #tpu.memory_space<hbm>> -> memref<640xi32, #tpu.memory_space<hbm>>
      tpu.enqueue_dma source(%dma_start3A_113 : memref<640xi32, #tpu.memory_space<hbm>>) target(%arg5 : memref<640xi32, #tpu.memory_space<vmem>>) target_semaphore(%run_scoped3A : memref<!tpu.dma_semaphore, #tpu.memory_space<semaphore_mem>>)
      %dma_wait3A_114 = tpu.memref_slice %arg2[%mul3A_2] : memref<20480xi32, #tpu.memory_space<hbm>> -> memref<640xi32, #tpu.memory_space<hbm>>
      %dma_wait3A_115 = tpu.memref_slice %arg2[%mul3A_2] : memref<20480xi32, #tpu.memory_space<hbm>> -> memref<640xi32, #tpu.memory_space<hbm>>
      tpu.wait_dma2 semaphore(%run_scoped3A : memref<!tpu.dma_semaphore, #tpu.memory_space<semaphore_mem>>) src(%dma_wait3A_115 : memref<640xi32, #tpu.memory_space<hbm>>) dst(%arg5 : memref<640xi32, #tpu.memory_space<vmem>>)
      tpu.yield
    }) : () -> ()
    %barrier3A = arith.constant 0 : index
    tpu.barrier barrier_id(%barrier3A)
    %dma_start3A = arith.constant 0 : i32
    %dma_start3A_5 = tpu.memref_slice %arg5[%dma_start3A] : memref<640xi32, #tpu.memory_space<vmem>> -> memref<128xi32, #tpu.memory_space<vmem>>
    %dma_start3A_6 = arith.constant 0 : i32
    %dma_start3A_7 = arith.constant 0 : i32
    %dma_start3A_8 = tpu.memref_slice %arg6[%dma_start3A_6, %dma_start3A_7] : memref<288x128xf32, #tpu.memory_space<vmem_shared>> -> memref<288x128xf32, #tpu.memory_space<vmem_shared>>
    tpu.enqueue_indirect_dma source(%dma_start3A_8 : memref<288x128xf32, #tpu.memory_space<vmem_shared>>) target(%arg7 : memref<128x128xf32, #tpu.memory_space<vmem>>) offsets(%dma_start3A_5 : memref<128xi32, #tpu.memory_space<vmem>>) semaphore(%arg12 : memref<!tpu.dma_semaphore, #tpu.memory_space<semaphore_mem>>)
    %dma_start3A_9 = arith.constant 128 : i32
    %dma_start3A_10 = tpu.memref_slice %arg5[%dma_start3A_9] : memref<640xi32, #tpu.memory_space<vmem>> -> memref<128xi32, #tpu.memory_space<vmem>>
    %dma_start3A_11 = arith.constant 0 : i32
    %dma_start3A_12 = arith.constant 0 : i32
    %dma_start3A_13 = tpu.memref_slice %arg6[%dma_start3A_11, %dma_start3A_12] : memref<288x128xf32, #tpu.memory_space<vmem_shared>> -> memref<288x128xf32, #tpu.memory_space<vmem_shared>>
    tpu.enqueue_indirect_dma source(%dma_start3A_13 : memref<288x128xf32, #tpu.memory_space<vmem_shared>>) target(%arg8 : memref<128x128xf32, #tpu.memory_space<vmem>>) offsets(%dma_start3A_10 : memref<128xi32, #tpu.memory_space<vmem>>) semaphore(%arg13 : memref<!tpu.dma_semaphore, #tpu.memory_space<semaphore_mem>>)
    %dma_start3A_14 = arith.constant 256 : i32
    %dma_start3A_15 = tpu.memref_slice %arg5[%dma_start3A_14] : memref<640xi32, #tpu.memory_space<vmem>> -> memref<128xi32, #tpu.memory_space<vmem>>
    %dma_start3A_16 = arith.constant 0 : i32
    %dma_start3A_17 = arith.constant 0 : i32
    %dma_start3A_18 = tpu.memref_slice %arg6[%dma_start3A_16, %dma_start3A_17] : memref<288x128xf32, #tpu.memory_space<vmem_shared>> -> memref<288x128xf32, #tpu.memory_space<vmem_shared>>
    tpu.enqueue_indirect_dma source(%dma_start3A_18 : memref<288x128xf32, #tpu.memory_space<vmem_shared>>) target(%arg9 : memref<128x128xf32, #tpu.memory_space<vmem>>) offsets(%dma_start3A_15 : memref<128xi32, #tpu.memory_space<vmem>>) semaphore(%arg14 : memref<!tpu.dma_semaphore, #tpu.memory_space<semaphore_mem>>)
    %dma_start3A_19 = arith.constant 384 : i32
    %dma_start3A_20 = tpu.memref_slice %arg5[%dma_start3A_19] : memref<640xi32, #tpu.memory_space<vmem>> -> memref<128xi32, #tpu.memory_space<vmem>>
    %dma_start3A_21 = arith.constant 0 : i32
    %dma_start3A_22 = arith.constant 0 : i32
    %dma_start3A_23 = tpu.memref_slice %arg6[%dma_start3A_21, %dma_start3A_22] : memref<288x128xf32, #tpu.memory_space<vmem_shared>> -> memref<288x128xf32, #tpu.memory_space<vmem_shared>>
    tpu.enqueue_indirect_dma source(%dma_start3A_23 : memref<288x128xf32, #tpu.memory_space<vmem_shared>>) target(%arg10 : memref<128x128xf32, #tpu.memory_space<vmem>>) offsets(%dma_start3A_20 : memref<128xi32, #tpu.memory_space<vmem>>) semaphore(%arg15 : memref<!tpu.dma_semaphore, #tpu.memory_space<semaphore_mem>>)
    %dma_start3A_24 = arith.constant 512 : i32
    %dma_start3A_25 = tpu.memref_slice %arg5[%dma_start3A_24] : memref<640xi32, #tpu.memory_space<vmem>> -> memref<128xi32, #tpu.memory_space<vmem>>
    %dma_start3A_26 = arith.constant 0 : i32
    %dma_start3A_27 = arith.constant 0 : i32
    %dma_start3A_28 = tpu.memref_slice %arg6[%dma_start3A_26, %dma_start3A_27] : memref<288x128xf32, #tpu.memory_space<vmem_shared>> -> memref<288x128xf32, #tpu.memory_space<vmem_shared>>
    tpu.enqueue_indirect_dma source(%dma_start3A_28 : memref<288x128xf32, #tpu.memory_space<vmem_shared>>) target(%arg11 : memref<128x128xf32, #tpu.memory_space<vmem>>) offsets(%dma_start3A_25 : memref<128xi32, #tpu.memory_space<vmem>>) semaphore(%arg16 : memref<!tpu.dma_semaphore, #tpu.memory_space<semaphore_mem>>)
    %scan3A = arith.constant 0 : i32
    %scan3A_29 = arith.constant 0 : i32
    %scan3A_30 = arith.constant 0 : i32
    %scan3A_31 = arith.addi %scan3A_29, %scan3A_30 : i32
    %scan3A_32 = arith.constant 0 : i32
    %dma_wait3A = arith.constant 0 : i32
    %dma_wait3A_33 = arith.constant 0 : i32
    %dma_wait3A_34 = tpu.memref_slice %arg6[%dma_wait3A, %dma_wait3A_33] : memref<288x128xf32, #tpu.memory_space<vmem_shared>> -> memref<128x128xf32, #tpu.memory_space<vmem_shared>>
    %dma_wait3A_35 = arith.constant 0 : i32
    %dma_wait3A_36 = arith.constant 0 : i32
    %dma_wait3A_37 = tpu.memref_slice %arg6[%dma_wait3A_35, %dma_wait3A_36] : memref<288x128xf32, #tpu.memory_space<vmem_shared>> -> memref<128x128xf32, #tpu.memory_space<vmem_shared>>
    tpu.wait_dma2 semaphore(%arg12 : memref<!tpu.dma_semaphore, #tpu.memory_space<semaphore_mem>>) src(%dma_wait3A_37 : memref<128x128xf32, #tpu.memory_space<vmem_shared>>) dst(%arg7 : memref<128x128xf32, #tpu.memory_space<vmem>>)
    %add3A_38 = arith.constant 0 : i32
    %add3A_39 = arith.addi %mul3A_2, %add3A_38 : i32
    %dma_start3A_40 = arith.constant 0 : i32
    %dma_start3A_41 = tpu.memref_slice %arg4[%add3A_39, %dma_start3A_40] : memref<20480x128xf32, #tpu.memory_space<hbm>> -> memref<128x128xf32, #tpu.memory_space<hbm>>
    %dma_start3A_42 = arith.constant 0 : i32
    %dma_start3A_43 = tpu.memref_slice %arg4[%add3A_39, %dma_start3A_42] : memref<20480x128xf32, #tpu.memory_space<hbm>> -> memref<128x128xf32, #tpu.memory_space<hbm>>
    tpu.enqueue_dma source(%arg7 : memref<128x128xf32, #tpu.memory_space<vmem>>) target(%dma_start3A_43 : memref<128x128xf32, #tpu.memory_space<hbm>>) target_semaphore(%arg17 : memref<!tpu.dma_semaphore, #tpu.memory_space<semaphore_mem>>)
    %dma_wait3A_44 = arith.constant 0 : i32
    %dma_wait3A_45 = arith.constant 0 : i32
    %dma_wait3A_46 = tpu.memref_slice %arg6[%dma_wait3A_44, %dma_wait3A_45] : memref<288x128xf32, #tpu.memory_space<vmem_shared>> -> memref<128x128xf32, #tpu.memory_space<vmem_shared>>
    %dma_wait3A_47 = arith.constant 0 : i32
    %dma_wait3A_48 = arith.constant 0 : i32
    %dma_wait3A_49 = tpu.memref_slice %arg6[%dma_wait3A_47, %dma_wait3A_48] : memref<288x128xf32, #tpu.memory_space<vmem_shared>> -> memref<128x128xf32, #tpu.memory_space<vmem_shared>>
    tpu.wait_dma2 semaphore(%arg13 : memref<!tpu.dma_semaphore, #tpu.memory_space<semaphore_mem>>) src(%dma_wait3A_49 : memref<128x128xf32, #tpu.memory_space<vmem_shared>>) dst(%arg8 : memref<128x128xf32, #tpu.memory_space<vmem>>)
    %add3A_50 = arith.constant 128 : i32
    %add3A_51 = arith.addi %mul3A_2, %add3A_50 : i32
    %dma_start3A_52 = arith.constant 0 : i32
    %dma_start3A_53 = tpu.memref_slice %arg4[%add3A_51, %dma_start3A_52] : memref<20480x128xf32, #tpu.memory_space<hbm>> -> memref<128x128xf32, #tpu.memory_space<hbm>>
    %dma_start3A_54 = arith.constant 0 : i32
    %dma_start3A_55 = tpu.memref_slice %arg4[%add3A_51, %dma_start3A_54] : memref<20480x128xf32, #tpu.memory_space<hbm>> -> memref<128x128xf32, #tpu.memory_space<hbm>>
    tpu.enqueue_dma source(%arg8 : memref<128x128xf32, #tpu.memory_space<vmem>>) target(%dma_start3A_55 : memref<128x128xf32, #tpu.memory_space<hbm>>) target_semaphore(%arg18 : memref<!tpu.dma_semaphore, #tpu.memory_space<semaphore_mem>>)
    %dma_wait3A_56 = arith.constant 0 : i32
    %dma_wait3A_57 = arith.constant 0 : i32
    %dma_wait3A_58 = tpu.memref_slice %arg6[%dma_wait3A_56, %dma_wait3A_57] : memref<288x128xf32, #tpu.memory_space<vmem_shared>> -> memref<128x128xf32, #tpu.memory_space<vmem_shared>>
    %dma_wait3A_59 = arith.constant 0 : i32
    %dma_wait3A_60 = arith.constant 0 : i32
    %dma_wait3A_61 = tpu.memref_slice %arg6[%dma_wait3A_59, %dma_wait3A_60] : memref<288x128xf32, #tpu.memory_space<vmem_shared>> -> memref<128x128xf32, #tpu.memory_space<vmem_shared>>
    tpu.wait_dma2 semaphore(%arg14 : memref<!tpu.dma_semaphore, #tpu.memory_space<semaphore_mem>>) src(%dma_wait3A_61 : memref<128x128xf32, #tpu.memory_space<vmem_shared>>) dst(%arg9 : memref<128x128xf32, #tpu.memory_space<vmem>>)
    %add3A_62 = arith.constant 256 : i32
    %add3A_63 = arith.addi %mul3A_2, %add3A_62 : i32
    %dma_start3A_64 = arith.constant 0 : i32
    %dma_start3A_65 = tpu.memref_slice %arg4[%add3A_63, %dma_start3A_64] : memref<20480x128xf32, #tpu.memory_space<hbm>> -> memref<128x128xf32, #tpu.memory_space<hbm>>
    %dma_start3A_66 = arith.constant 0 : i32
    %dma_start3A_67 = tpu.memref_slice %arg4[%add3A_63, %dma_start3A_66] : memref<20480x128xf32, #tpu.memory_space<hbm>> -> memref<128x128xf32, #tpu.memory_space<hbm>>
    tpu.enqueue_dma source(%arg9 : memref<128x128xf32, #tpu.memory_space<vmem>>) target(%dma_start3A_67 : memref<128x128xf32, #tpu.memory_space<hbm>>) target_semaphore(%arg19 : memref<!tpu.dma_semaphore, #tpu.memory_space<semaphore_mem>>)
    %dma_wait3A_68 = arith.constant 0 : i32
    %dma_wait3A_69 = arith.constant 0 : i32
    %dma_wait3A_70 = tpu.memref_slice %arg6[%dma_wait3A_68, %dma_wait3A_69] : memref<288x128xf32, #tpu.memory_space<vmem_shared>> -> memref<128x128xf32, #tpu.memory_space<vmem_shared>>
    %dma_wait3A_71 = arith.constant 0 : i32
    %dma_wait3A_72 = arith.constant 0 : i32
    %dma_wait3A_73 = tpu.memref_slice %arg6[%dma_wait3A_71, %dma_wait3A_72] : memref<288x128xf32, #tpu.memory_space<vmem_shared>> -> memref<128x128xf32, #tpu.memory_space<vmem_shared>>
    tpu.wait_dma2 semaphore(%arg15 : memref<!tpu.dma_semaphore, #tpu.memory_space<semaphore_mem>>) src(%dma_wait3A_73 : memref<128x128xf32, #tpu.memory_space<vmem_shared>>) dst(%arg10 : memref<128x128xf32, #tpu.memory_space<vmem>>)
    %add3A_74 = arith.constant 384 : i32
    %add3A_75 = arith.addi %mul3A_2, %add3A_74 : i32
    %dma_start3A_76 = arith.constant 0 : i32
    %dma_start3A_77 = tpu.memref_slice %arg4[%add3A_75, %dma_start3A_76] : memref<20480x128xf32, #tpu.memory_space<hbm>> -> memref<128x128xf32, #tpu.memory_space<hbm>>
    %dma_start3A_78 = arith.constant 0 : i32
    %dma_start3A_79 = tpu.memref_slice %arg4[%add3A_75, %dma_start3A_78] : memref<20480x128xf32, #tpu.memory_space<hbm>> -> memref<128x128xf32, #tpu.memory_space<hbm>>
    tpu.enqueue_dma source(%arg10 : memref<128x128xf32, #tpu.memory_space<vmem>>) target(%dma_start3A_79 : memref<128x128xf32, #tpu.memory_space<hbm>>) target_semaphore(%arg20 : memref<!tpu.dma_semaphore, #tpu.memory_space<semaphore_mem>>)
    %dma_wait3A_80 = arith.constant 0 : i32
    %dma_wait3A_81 = arith.constant 0 : i32
    %dma_wait3A_82 = tpu.memref_slice %arg6[%dma_wait3A_80, %dma_wait3A_81] : memref<288x128xf32, #tpu.memory_space<vmem_shared>> -> memref<128x128xf32, #tpu.memory_space<vmem_shared>>
    %dma_wait3A_83 = arith.constant 0 : i32
    %dma_wait3A_84 = arith.constant 0 : i32
    %dma_wait3A_85 = tpu.memref_slice %arg6[%dma_wait3A_83, %dma_wait3A_84] : memref<288x128xf32, #tpu.memory_space<vmem_shared>> -> memref<128x128xf32, #tpu.memory_space<vmem_shared>>
    tpu.wait_dma2 semaphore(%arg16 : memref<!tpu.dma_semaphore, #tpu.memory_space<semaphore_mem>>) src(%dma_wait3A_85 : memref<128x128xf32, #tpu.memory_space<vmem_shared>>) dst(%arg11 : memref<128x128xf32, #tpu.memory_space<vmem>>)
    %add3A_86 = arith.constant 512 : i32
    %add3A_87 = arith.addi %mul3A_2, %add3A_86 : i32
    %dma_start3A_88 = arith.constant 0 : i32
    %dma_start3A_89 = tpu.memref_slice %arg4[%add3A_87, %dma_start3A_88] : memref<20480x128xf32, #tpu.memory_space<hbm>> -> memref<128x128xf32, #tpu.memory_space<hbm>>
    %dma_start3A_90 = arith.constant 0 : i32
    %dma_start3A_91 = tpu.memref_slice %arg4[%add3A_87, %dma_start3A_90] : memref<20480x128xf32, #tpu.memory_space<hbm>> -> memref<128x128xf32, #tpu.memory_space<hbm>>
    tpu.enqueue_dma source(%arg11 : memref<128x128xf32, #tpu.memory_space<vmem>>) target(%dma_start3A_91 : memref<128x128xf32, #tpu.memory_space<hbm>>) target_semaphore(%arg21 : memref<!tpu.dma_semaphore, #tpu.memory_space<semaphore_mem>>)
    %dma_wait3A_92 = arith.constant 0 : i32
    %dma_wait3A_93 = tpu.memref_slice %arg4[%mul3A_2, %dma_wait3A_92] : memref<20480x128xf32, #tpu.memory_space<hbm>> -> memref<128x128xf32, #tpu.memory_space<hbm>>
    %dma_wait3A_94 = arith.constant 0 : i32
    %dma_wait3A_95 = tpu.memref_slice %arg4[%mul3A_2, %dma_wait3A_94] : memref<20480x128xf32, #tpu.memory_space<hbm>> -> memref<128x128xf32, #tpu.memory_space<hbm>>
    tpu.wait_dma2 semaphore(%arg17 : memref<!tpu.dma_semaphore, #tpu.memory_space<semaphore_mem>>) src(%arg7 : memref<128x128xf32, #tpu.memory_space<vmem>>) dst(%dma_wait3A_95 : memref<128x128xf32, #tpu.memory_space<hbm>>)
    %dma_wait3A_96 = arith.constant 0 : i32
    %dma_wait3A_97 = tpu.memref_slice %arg4[%mul3A_2, %dma_wait3A_96] : memref<20480x128xf32, #tpu.memory_space<hbm>> -> memref<128x128xf32, #tpu.memory_space<hbm>>
    %dma_wait3A_98 = arith.constant 0 : i32
    %dma_wait3A_99 = tpu.memref_slice %arg4[%mul3A_2, %dma_wait3A_98] : memref<20480x128xf32, #tpu.memory_space<hbm>> -> memref<128x128xf32, #tpu.memory_space<hbm>>
    tpu.wait_dma2 semaphore(%arg18 : memref<!tpu.dma_semaphore, #tpu.memory_space<semaphore_mem>>) src(%arg8 : memref<128x128xf32, #tpu.memory_space<vmem>>) dst(%dma_wait3A_99 : memref<128x128xf32, #tpu.memory_space<hbm>>)
    %dma_wait3A_100 = arith.constant 0 : i32
    %dma_wait3A_101 = tpu.memref_slice %arg4[%mul3A_2, %dma_wait3A_100] : memref<20480x128xf32, #tpu.memory_space<hbm>> -> memref<128x128xf32, #tpu.memory_space<hbm>>
    %dma_wait3A_102 = arith.constant 0 : i32
    %dma_wait3A_103 = tpu.memref_slice %arg4[%mul3A_2, %dma_wait3A_102] : memref<20480x128xf32, #tpu.memory_space<hbm>> -> memref<128x128xf32, #tpu.memory_space<hbm>>
    tpu.wait_dma2 semaphore(%arg19 : memref<!tpu.dma_semaphore, #tpu.memory_space<semaphore_mem>>) src(%arg9 : memref<128x128xf32, #tpu.memory_space<vmem>>) dst(%dma_wait3A_103 : memref<128x128xf32, #tpu.memory_space<hbm>>)
    %dma_wait3A_104 = arith.constant 0 : i32
    %dma_wait3A_105 = tpu.memref_slice %arg4[%mul3A_2, %dma_wait3A_104] : memref<20480x128xf32, #tpu.memory_space<hbm>> -> memref<128x128xf32, #tpu.memory_space<hbm>>
    %dma_wait3A_106 = arith.constant 0 : i32
    %dma_wait3A_107 = tpu.memref_slice %arg4[%mul3A_2, %dma_wait3A_106] : memref<20480x128xf32, #tpu.memory_space<hbm>> -> memref<128x128xf32, #tpu.memory_space<hbm>>
    tpu.wait_dma2 semaphore(%arg20 : memref<!tpu.dma_semaphore, #tpu.memory_space<semaphore_mem>>) src(%arg10 : memref<128x128xf32, #tpu.memory_space<vmem>>) dst(%dma_wait3A_107 : memref<128x128xf32, #tpu.memory_space<hbm>>)
    %dma_wait3A_108 = arith.constant 0 : i32
    %dma_wait3A_109 = tpu.memref_slice %arg4[%mul3A_2, %dma_wait3A_108] : memref<20480x128xf32, #tpu.memory_space<hbm>> -> memref<128x128xf32, #tpu.memory_space<hbm>>
    %dma_wait3A_110 = arith.constant 0 : i32
    %dma_wait3A_111 = tpu.memref_slice %arg4[%mul3A_2, %dma_wait3A_110] : memref<20480x128xf32, #tpu.memory_space<hbm>> -> memref<128x128xf32, #tpu.memory_space<hbm>>
    tpu.wait_dma2 semaphore(%arg21 : memref<!tpu.dma_semaphore, #tpu.memory_space<semaphore_mem>>) src(%arg11 : memref<128x128xf32, #tpu.memory_space<vmem>>) dst(%dma_wait3A_111 : memref<128x128xf32, #tpu.memory_space<hbm>>)
    return
  }
}

module attributes {stable_mosaic.version = 14 : i64} {
  func.func @_tc_body(%arg0: i32, %arg1: memref<1x1x32768xi32, #tpu.memory_space<vmem>>, %arg2: memref<32x128xbf16, #tpu.memory_space<vmem>>, %arg3: memref<32768x128xf32, #tpu.memory_space<vmem>>) attributes {dimension_semantics = [#tpu.dimension_semantics<arbitrary>], iteration_bounds = array<i64: 10>, scalar_prefetch = 0 : i64, scratch_operands = 0 : i64, tpu.core_type = #tpu.core_type<tc>, window_params = [{transform_indices = @transform_0, window_bounds = array<i64: 1, 1, 32768>}, {pipeline_mode = #tpu.pipeline_mode<synchronous>, transform_indices = @transform_1, window_bounds = array<i64: 32, 128>}, {transform_indices = @transform_2, window_bounds = array<i64: 32768, 128>}]} {
    %get3A = arith.constant 0 : index
    %get3A_0 = arith.constant 0 : index
    %get3A_1 = arith.constant 0 : index
    %get3A_2 = vector.load %arg1[%get3A, %get3A_0, %get3A_1] : memref<1x1x32768xi32, #tpu.memory_space<vmem>>, vector<1x1x32768xi32>
    %get3A_3 = vector.shape_cast %get3A_2 : vector<1x1x32768xi32> to vector<32768xi32>
    %iota3A = tpu.iota {dimensions = array<i32: 1>} : vector<32768x32xi32>
    %and3A = arith.constant 15 : i32
    %and3A_4 = vector.broadcast %and3A : i32 to vector<32768x32xi32>
    %and3A_5 = arith.andi %iota3A, %and3A_4 : vector<32768x32xi32>
    %broadcast_in_dim3A = vector.shape_cast %get3A_3 : vector<32768xi32> to vector<32768x1xi32>
    %eq3A = vector.broadcast %broadcast_in_dim3A : vector<32768x1xi32> to vector<32768x32xi32>
    %eq3A_6 = arith.cmpi eq, %and3A_5, %eq3A : vector<32768x32xi32>
    %convert_element_type3A = arith.extui %eq3A_6 : vector<32768x32xi1> to vector<32768x32xi32>
    %convert_element_type3A_7 = arith.sitofp %convert_element_type3A : vector<32768x32xi32> to vector<32768x32xf32>
    %convert_element_type3A_8 = arith.truncf %convert_element_type3A_7 : vector<32768x32xf32> to vector<32768x32xbf16>
    %get3A_9 = arith.constant 0 : index
    %get3A_10 = arith.constant 0 : index
    %get3A_11 = vector.load %arg2[%get3A_9, %get3A_10] : memref<32x128xbf16, #tpu.memory_space<vmem>>, vector<32x128xbf16>
    %dot_general3A = arith.constant dense<0.000000e+00> : vector<32768x128xf32>
    %dot_general3A_12 = tpu.matmul %convert_element_type3A_8, %get3A_11, %dot_general3A {dimension_numbers = #tpu.dot_dimension_numbers<[1], [0], [0], [1], [0, 0, 1, 1], [], []>, transpose_lhs_hint = false} : vector<32768x32xbf16>, vector<32x128xbf16>, vector<32768x128xf32> -> vector<32768x128xf32>
    %swap3A = arith.constant 0 : index
    %swap3A_13 = arith.constant 0 : index
    %swap3A_14 = vector.load %arg3[%swap3A, %swap3A_13] : memref<32768x128xf32, #tpu.memory_space<vmem>>, vector<32768x128xf32>
    tpu.vector_store %arg3[%swap3A, %swap3A_13], %dot_general3A_12 {strides = array<i32>} : memref<32768x128xf32, #tpu.memory_space<vmem>>, vector<32768x128xf32>,
    return
  }
  func.func @transform_0(%arg0: i32) -> (i32, i32, i32) {
    %c0_i32 = arith.constant 0 : i32
    %c0_i32_0 = arith.constant 0 : i32
    %c0_i32_1 = arith.constant 0 : i32
    return %arg0, %c0_i32, %c0_i32_0 : i32, i32, i32
  }
  func.func @transform_1(%arg0: i32) -> (i32, i32) {
    %c0_i32 = arith.constant 0 : i32
    %c0_i32_0 = arith.constant 0 : i32
    %c0_i32_1 = arith.constant 0 : i32
    return %c0_i32, %c0_i32_0 : i32, i32
  }
  func.func @transform_2(%arg0: i32) -> (i32, i32) {
    %c0_i32 = arith.constant 0 : i32
    %c0_i32_0 = arith.constant 0 : i32
    return %arg0, %c0_i32 : i32, i32
  }
}

</mosaic_0001>

<sc_bundles>
// kernel: kernel.4.cloned.1.call-start
scs
__scs_entry_jumppad:
0x0: {  	(pc) =	sbr.rel $0x88, $3  }
0x1: {  	(tag) =	ssettag $0x0;
	lr =	simm.s32 $0x1  }
0x2: {  	[smem:$0x3F9B] =	sst lr;
	_ =	strace $0xD0000000  }
0x3: {  	_ = 	snop  }
0x4: {  	_ = 	snop  }
0x5: {  	_ = 	snop  }
0x6: {  	_ = 	snop  }
0x7: {  	_ = 	snop  }
__scs_overlays_trampoline_lowered:
0x8: {  	[smem:$0x3FAA] =	sst s0  }
0x9: {  	[smem:$0x3FAB] =	sst s1  }
0xa: {  	[smem:$0x3FAC] =	sst s2  }
0xb: {  	[smem:$0x3FAD] =	sst s3  }
0xc: {  	[smem:$0x3FAE] =	sst s4  }
0xd: {  	[smem:$0x3FAF] =	sst s5  }
0xe: {  	[smem:$0x3FB0] =	sst s6  }
0xf: {  	[smem:$0x3FB1] =	sst s7  }
0x10: {  	[smem:$0x3FB2] =	sst s8  }
0x11: {  	[smem:$0x3FB3] =	sst s9;
	s0 =	simm.s32 @!p0 $0x0  }
0x12: {  	s1 =	sld [smem:$0x3F99];
	s0 =	simm.s32 @p0 $0x1  }
0x13: {  	[smem:$0x3FB4] =	sst s0;
	s0 =	simm.s32 @!p1 $0x0  }
0x14: {  	s2 =	sld [smem:$0x3F98];
	s0 =	simm.s32 @p1 $0x1  }
0x15: {  	[smem:$0x3FB5] =	sst s0;
	s0 =	simm.s32 @!p2 $0x0  }
0x16: {  	s3 =	sld [smem:$0x3FDB];
	s0 =	simm.s32 @p2 $0x1  }
0x17: {  	s4 =	simm.s32 $0x1BF5;
	[smem:$0x3FB7] =	sst s0  }
0x18: {  	s0 =	sld [smem:$0x3F9A];
	_ =	swait.ge [sflag:s4], $0x0  }
0x19: {  	s7 =	sld [smem:$0x3F9B]  }
0x1a: {  	s8 =	sadd.s32 $0xFFFFE003, lr  }
0x1b: {  	s9 =	sadd.s32 $0xFFFFFEF7, lr;
	s5 =	simm.s32 $0xFFFFFFFF;
	p2 =	slt.u32 s8, $0xFFFFF086  }
0x1c: {  	p1 =	slt.u32 s9, $0xF7A;
	s5 =	simm.s32 @!p2 $0x0  }
0x1d: {  	s5 =	simm.s32 @p1 $0x1;
	p0 =	seq.s32 s7, s2  }
0x1e: {  	s7 =	smul.u32 @!p0 $0xF7A, s2;
	p2 =	seq.s32 @!p0 s5, $0x0  }
0x1f: {  	s9 =	smul.u32 $0xF7A, s1;
	s8 =	simm.s32 @!p0 $0x1BF5;
	p2 =	por !p2, p0  }
0x20: {  	[sflag:s8] =	ssyncset.s32 @!p0 $0xFFFFF086;
	s6 =	sadd.s32 @!p0 s3, s7;
	s7 =	simm.s32 @!p0 $0x108  }
0x21: {  	s3 =	sadd.s32 s3, s9;
	s6 =	sadd.s32 @!p0 $0x88, s6;
	s7 =	simm.s32 @p2 $0x1082  }
0x22: {  	[simem:s7], [sflag:s8] =	dma.local @!p0 [hbm:s6], $0xF7A  }
0x23: {  	s9 =	sor.u32 $0xD0000000, s2;
	s6 =	simm.s32 $0x108;
	_ =	swait.ge @!p0 [sflag:s8], $0x0  }
0x24: {  	s3 =	sadd.s32 $0x88, s3;
	s6 =	simm.s32 @!p1 $0x1082;
	[sflag:s4] =	ssyncset.s32 $0xFFFFF086  }
0x25: {  	[simem:s6], [sflag:s4] =	dma.local [hbm:s3], $0xF7A  }
0x26: {  	[smem:$0x3F9B] =	sst s1;
	(tag) =	ssettag s2;
	_ =	strace s9  }
0x27: {  	s1 =	sld [smem:$0x3FAB]  }
0x28: {  	s2 =	sld [smem:$0x3FAC]  }
0x29: {  	s4 =	sld [smem:$0x3FAE]  }
0x2a: {  	p0 =	seq.s32 s5, $0x0;
	s5 =	sld [smem:$0x3FAF]  }
0x2b: {  	s6 =	sld [smem:$0x3FB0]  }
0x2c: {  	s7 =	sld [smem:$0x3FB1]  }
0x2d: {  	s3 =	simm.s32 $0x108;
	s8 =	sld [smem:$0x3FB2]  }
0x2e: {  	s3 =	simm.s32 @!p0 $0x1082;
	s9 =	sld [smem:$0x3FB3]  }
0x2f: {  	lr =	sadd.s32 s0, s3;
	s0 =	sld [smem:$0x3FAA]  }
0x30: {  	s3 =	sld [smem:$0x3FAD]  }
0x31: {  	[smem:$0x3FB6] =	sst s10  }
0x32: {  	s10 =	sld [smem:$0x3FB4];
	_ =	sdelay $0x3  }
0x33: {  	p0 =	seq.s32 s10, $0x1;
	s10 =	sld [smem:$0x3FB6];
	_ =	sdelay $0x3  }
0x34: {  	[smem:$0x3FB6] =	sst s10  }
0x35: {  	s10 =	sld [smem:$0x3FB5];
	_ =	sdelay $0x3  }
0x36: {  	p1 =	seq.s32 s10, $0x1;
	s10 =	sld [smem:$0x3FB6];
	_ =	sdelay $0x3  }
0x37: {  	[smem:$0x3FB6] =	sst s10  }
0x38: {  	s10 =	sld [smem:$0x3FB7]  }
0x39: {  	_ = 	snop;
	(pc) =	sbr.ind lr, $3  }
0x3a: {  	_ = 	snop  }
0x3b: {  	_ = 	snop  }
0x3c: {  	p2 =	seq.s32 s10, $0x1;
	s10 =	sld [smem:$0x3FB6]  }
0x3d: {  	_ =	shalt  }
0x3e: {  	_ =	shalt  }
0x3f: {  	_ =	shalt  }
0x40: {  	_ =	shalt  }
0x41: {  	_ =	shalt  }
0x42: {  	_ =	shalt  }
0x43: {  	_ =	shalt  }
0x44: {  	_ =	shalt  }
0x45: {  	_ =	shalt  }
0x46: {  	_ =	shalt  }
0x47: {  	_ =	shalt  }
0x48: {  	_ =	shalt  }
0x49: {  	_ =	shalt  }
0x4a: {  	_ =	shalt  }
0x4b: {  	_ =	shalt  }
0x4c: {  	_ =	shalt  }
0x4d: {  	_ =	shalt  }
0x4e: {  	_ =	shalt  }
0x4f: {  	_ =	shalt  }
0x50: {  	_ =	shalt  }
0x51: {  	_ =	shalt  }
0x52: {  	_ =	shalt  }
0x53: {  	_ =	shalt  }
0x54: {  	_ =	shalt  }
0x55: {  	_ =	shalt  }
0x56: {  	_ =	shalt  }
0x57: {  	_ =	shalt  }
0x58: {  	_ =	shalt  }
0x59: {  	_ =	shalt  }
0x5a: {  	_ =	shalt  }
0x5b: {  	_ =	shalt  }
0x5c: {  	_ =	shalt  }
0x5d: {  	_ =	shalt  }
0x5e: {  	_ =	shalt  }
0x5f: {  	_ =	shalt  }
0x60: {  	_ =	shalt  }
0x61: {  	_ =	shalt  }
0x62: {  	_ =	shalt  }
0x63: {  	_ =	shalt  }
0x64: {  	_ =	shalt  }
0x65: {  	_ =	shalt  }
0x66: {  	_ =	shalt  }
0x67: {  	_ =	shalt  }
0x68: {  	_ =	shalt  }
0x69: {  	_ =	shalt  }
0x6a: {  	_ =	shalt  }
0x6b: {  	_ =	shalt  }
0x6c: {  	_ =	shalt  }
0x6d: {  	_ =	shalt  }
0x6e: {  	_ =	shalt  }
0x6f: {  	_ =	shalt  }
0x70: {  	_ =	shalt  }
0x71: {  	_ =	shalt  }
0x72: {  	_ =	shalt  }
0x73: {  	_ =	shalt  }
0x74: {  	_ =	shalt  }
0x75: {  	_ =	shalt  }
0x76: {  	_ =	shalt  }
0x77: {  	_ =	shalt  }
0x78: {  	_ =	shalt  }
0x79: {  	_ =	shalt  }
0x7a: {  	_ =	shalt  }
0x7b: {  	_ =	shalt  }
0x7c: {  	_ =	shalt  }
0x7d: {  	_ =	shalt  }
0x7e: {  	_ =	shalt  }
0x7f: {  	_ =	shalt  }
0x80: {  	_ =	shalt  }
0x81: {  	_ =	shalt  }
0x82: {  	_ =	shalt  }
0x83: {  	_ =	shalt  }
0x84: {  	_ =	shalt  }
0x85: {  	_ =	shalt  }
0x86: {  	_ =	shalt  }
0x87: {  	_ =	shalt  }
.Lfunc_end0:
.L_simem_size_0:
called_computation_lowered:
.L_overlay_start_0:
0x88: {  	s2 =	sld [smem:$0x3FD9]  }
0x89: {  	s3 =	sld [smem:$0x3FFE];
	_ =	sdelay $0x1  }
0x8a: {  	s1 =	srdreg.scid  }
0x8b: {  	s0 =	sand.u32 $0x1, s1  }
0x8c: {  	s14 =	sshll.u32 s0, $0xA;
	s2 =	sadd.s32 s3, s2  }
0x8d: {  	s2 =	sadd.s32 s2, s14  }
0x8e: {  	[smem:$0x3FC2] =	sst s2  }
0x8f: {  	_ = 	snop  }
0x90: {  	s2 =	sld [smem:$0x3FD0];
	_ =	sdelay $0x2  }
0x91: {  	s15 =	simm.s32 $0xA;
	s4 =	simm.s32 $0x10  }
0x92: {  	[smem:s4], [sflag:s15] =	dma.local [hbm:s2], $0x1  }
0x93: {  	_ =	swait.eq [sflag:s15], $0x1  }
0x94: {  	[sflag:s15] =	ssyncset.done $0x0  }
0x95: {  	s16 =	sld [smem:$0x10];
	[sflag:s15] =	ssyncadd.s32 $0xFFFFFFFF  }
0x96: {  	s17 =	sld [smem:$0x12];
	(tm) =	ssettm $0x1  }
0x97: {  	s18 =	sld [smem:$0x3FFB];
	_ =	sdelay $0x3  }
0x98: {  	_ =	strace s18  }
0x99: {  	s4 =	sld [smem:$0x3FFC];
	_ =	sdelay $0x3  }
0x9a: {  	_ =	strace s4  }
0x9b: {  	s4 =	sld [smem:$0x3FFD];
	_ =	sdelay $0x3  }
0x9c: {  	_ =	strace s4  }
0x9d: {  	_ =	strace $0x8FFFFFFF  }
0x9e: {  	s19 =	sld [smem:$0x3FDB];
	_ =	sdelay $0x1  }
0x9f: {  	s5 =	simm.s32 $_scs_section_size  }
0xa0: {  	s6 =	simm.s32 $_size__tile_overlayer_lowered;
	s7 =	simm.s32 $_tile_overlayer_lowered  }
0xa1: {  	s22 =	simm.s32 $0x1BFF;
	s21 =	sshll.u32 s7, $0x1;
	s4 =	sadd.s32 s5, s19  }
0xa2: {  	s8 =	simm.s32 $0x0;
	s20 =	sshll.u32 s6, $0x1;
	s6 =	sadd.s32 s21, s4  }
0xa3: {  	[timem:s8], [sflag:s22] =	dma.local [hbm:s6], s20  }
0xa4: {  	_ =	swait.ge [sflag:s22], s20  }
0xa5: {  	s5 =	ssub.s32 $0x0, s20;
	[sflag:s22] =	ssyncset.done $0x0  }
0xa6: {  	[sflag:s22] =	ssyncadd.s32 s5;
	_ =	sdelay $0x1  }
0xa7: {  	s23 =	simm.s32 $0x1B8B  }
0xa8: {  	_ =	swait.ge [sflag:s23], $0x1  }
0xa9: {  	[sflag:s23] =	ssyncset.done $0x0  }
0xaa: {  	s25 =	simm.s32 $0x1B8E;
	s24 =	sld [smem:$0x3FFE];
	[sflag:s23] =	ssyncadd.s32 $0xFFFFFFFF  }
0xab: {  	s26 =	simm.s32 $execute0_lowered;
	[smem:$0x3FD2] =	sst s25  }
0xac: {  	s6 =	sshll.u32 s26, $0x1;
	_ =	strace $0x80000046;
	[dreg:$0x1] =	wrdreg $0xFFFFFFFF  }
0xad: {  	s28 =	simm.s32 $_size_execute0_lowered;
	s4 =	sadd.s32 s4, s6;
	[dreg:$0x0] =	wrdreg $0x0  }
0xae: {  	s6 =	sshll.u32 s28, $0x1;
	[dreg:$0x2] =	wrdreg s4  }
0xaf: {  	[dreg:$0x3] =	wrdreg s6  }
0xb0: {  	[dreg:$0x4] =	wrdreg $0xC0  }
0xb1: {  	_ =	task [dreg:s8], $0x5FFFF  }
0xb2: {  	[dreg:$0x1] =	wrdreg $0xFFFFFFFF  }
0xb3: {  	[dreg:$0x0] =	wrdreg $0x60  }
0xb4: {  	[dreg:$0x2] =	wrdreg s17  }
0xb5: {  	[dreg:$0x3] =	wrdreg s16  }
0xb6: {  	[dreg:$0x4] =	wrdreg s24  }
0xb7: {  	[dreg:$0x5] =	wrdreg $0x2800  }
0xb8: {  	[dreg:$0x6] =	wrdreg $0x9  }
0xb9: {  	_ =	task.clear_ibuf [dreg:s8], $0x7FFFF;
	_ =	strace $0x90000046  }
0xba: {  	s29 =	simm.s32 $0x9;
	_ =	strace $0x80000048  }
0xbb: {  	_ =	swait.ge [sflag:s29], $0x1  }
0xbc: {  	[sflag:s29] =	ssyncadd.s32 $0xFFFFFFFF  }
0xbd: {  	_ =	strace $0x90000048  }
0xbe: {  	_ =	sfence  }
0xbf: {  	s30 =	sld [smem:$0x0];
	_ =	sdelay $0x2  }
0xc0: {  	s31 =	sshll.u32 s1, $0xD;
	s1 =	sshrl.u32 s1, $0x2  }
0xc1: {  	s3 =	sand.u32 $0x4000, s31;
	s1 =	sadd.s32 s1, s30  }
0xc2: {  	s0 =	sor.u32 s3, s0;
	s1 =	sshll.u32 s1, $0x11  }
0xc3: {  	s0 =	sor.u32 s1, s0  }
0xc4: {  	s0 =	sadd.s32 $0x8F2B, s0  }
0xc5: {  	[sflag:s0] =	ssyncadd.remote.s32 $0x1  }
0xc6: {  	_ =	sfence.sel $0xFFFF  }
0xc7: {  	[dreg:$0x0] =	wrdreg $0xFFFFFFFF;
	(pc) =	sbr.abs _section_cstart, $3  }
0xc8: {  	[dreg:$0x1] =	wrdreg $0xFFFFFFFF  }
0xc9: {  	_ =	task.clear_ibuf [dreg:s8], $0x2FFFF;
	_ =	strace $0x9FFFFFFF  }
0xca: {  	(tm) =	ssettm $0x7FFFFFFF  }
0xcb: {  	_ =	shalt  }
tec
execute0_lowered:
.L_overlay_start_1:
0x0: {  	(tag) =	ssettag $0x1  }
0x1: {  	s0 =	rddreg [dreg:$0x0]  }
0x2: {  	s1 =	rddreg [dreg:$0x1]  }
0x3: {  	s3 =	rddreg [dreg:$0x2]  }
0x4: {  	s23 =	srdreg.scid;
	s2 =	rddreg [dreg:$0x3]  }
0x5: {  	s7 =	stileid.u32;
	s30 =	rddreg [dreg:$0x4];
	s22 =	simm.s32 $0xB  }
0x6: {  	s20 =	simm.s32 $0x80;
	s17 =	simm.s32 $0xB80;
	s15 =	simm.s32 $0x4B80  }
0x7: {  	s14 =	simm.s32 $0x8B80;
	s11 =	simm.s32 $0xCB80;
	s21 =	simm.s32 $0x2  }
0x8: {  	s19 =	simm.s32 $0x3;
	s18 =	simm.s32 $0x4;
	s16 =	simm.s32 $0x5  }
0x9: {  	s13 =	simm.s32 $0x6;
	s10 =	simm.s32 $0x7;
	p1 =	por $0x0, $0x0  }
0xa: {  	s12 =	simm.s32 $0x8;
	[dreg:$0x5] =	wrdreg s1;
	s4 =	sand.u32 $0x1, s23  }
0xb: {  	s5 =	sshll.u32 s7, $0x1;
	s1 =	simm.s32 $0x0;
	s3 =	sadd.s32 $0x800, s3  }
0xc: {  	p0 =	sne.s32 s7, $0x0;
	s5 =	sor.u32 s4, s5;
	s4 =	ssub.s32 $0x2, s4  }
0xd: {  	s23 =	simm.s32 $0x100;
	s7 =	simm.s32 $0xA;
	s9 =	sshrl.u32 s4, $0x1  }
0xe: {  	[smem:$0x7FF] =	sst s1;
	s6 =	smul.u32 $0x50, s5;
	s26 =	ssub.s32 s4, s9  }
0xf: {  	s28 =	sshrl.u32 @!p0 s2, $0x3;
	s8 =	smul.u32 $0x14000, s5;
	s29 =	smax.u32 s26, $0x1  }
0x10: {  	_ =	strace $0x80000047;
	s5 =	smul.u32 $0x2800, s5;
	s31 =	sadd.s32 $0xFFFFFFFF, s29  }
0x11: {  	s9 =	simm.s32 $0x9;
	s0 =	sadd.s32 s0, s6;
	p2 =	sne.s32 s31, $0x0  }
.Ltmp0:
0x12: {  	s24 =	sshrl.u32 s8, $0x3;
	s25 =	sadd.s32 s3, s5;
	(pc) =	sbr.rel @!p2 .LBB2_5-.Ltmp0, $4  }
0x13: {  	s26 =	simm.s32 $0x200;
	s8 =	simm.s32 $0x10B80;
	[dreg:$0x6] =	wrdreg s0  }
0x14: {  	s3 =	sadd.s32 s3, s24;
	[dreg:$0x7] =	wrdreg s25;
	s25 =	simm.s32 $0x180  }
0x15: {  	s24 =	simm.s32 $0x1;
	s0 =	rddreg [dreg:$0x5];
	s6 =	sadd.s32 $0x800, s3  }
0x16: {  	s5 =	sadd.s32 $0x1000, s3;
	s4 =	sadd.s32 $0x1800, s3;
	s3 =	sadd.s32 $0x2000, s3  }
0x17: {  	s29 =	simm.s32 @!p0 $0x1C0B;
	s30 =	simm.s32 @!p0 $0xB  }
0x18: {  	[spmem:s28], [sflag:s29] =	dma.local @!p0 [hbm:s0], $0x1200  }
0x19: {  	_ =	swait.ge @!p0 [sflag:s30], $0x1200  }
0x1a: {  	[sflag:s30] =	ssyncset.done @!p0 $0x0  }
0x1b: {  	s0 =	rddreg [dreg:$0x6];
	[sflag:s30] =	ssyncadd.s32 @!p0 $0xFFFFEE00  }
0x1c: {  	[tilespmem:s1], [sflag:$0xB] =	stream.linear.gather [hbm4b:s0+s1], $0x280, $0x38;
	[tilespmem:$0x14B80] =	vst v63  }
0x1d: {  	_ =	swait.ge [sflag:s22], $0x280  }
0x1e: {  	[sflag:s22] =	ssyncset.done $0x0  }
0x1f: {  	[sflag:s22] =	ssyncadd.s32 $0xFFFFFD80  }
0x20: {  	[bflag:$0x0] =	sbarrier.arrive $0xFFFF  }
0x21: {  	[tilespmem:s17], [sflag:$0x1] =	stream.indirect.gather [spmem:s2], $0x80, s1, s20, $0xb8;
	[tilespmem:$0x14B80] =	vst v63  }
0x22: {  	_ = 	snop  }
0x23: {  	[tilespmem:s15], [sflag:$0x2] =	stream.indirect.gather [spmem:s2], $0x80, s20, s20, $0xb8;
	[tilespmem:$0x14B80] =	vst v63  }
0x24: {  	_ = 	snop  }
0x25: {  	[tilespmem:s14], [sflag:$0x3] =	stream.indirect.gather [spmem:s2], $0x80, s23, s20, $0xb8;
	[tilespmem:$0x14B80] =	vst v63  }
0x26: {  	_ = 	snop  }
0x27: {  	[tilespmem:s11], [sflag:$0x4] =	stream.indirect.gather [spmem:s2], $0x80, s25, s20, $0xb8;
	[tilespmem:$0x14B80] =	vst v63  }
0x28: {  	_ = 	snop  }
0x29: {  	[tilespmem:s8], [sflag:$0x5] =	stream.indirect.gather [spmem:s2], $0x80, s26, s20, $0xb8;
	[tilespmem:$0x14B80] =	vst v63  }
0x2a: {  	_ =	swait.ge [sflag:s24], $0x4000  }
0x2b: {  	[sflag:s24] =	ssyncset.done $0x0  }
0x2c: {  	s0 =	rddreg [dreg:$0x7];
	[sflag:s24] =	ssyncadd.s32 $0xFFFFC000  }
0x2d: {  	[hbm4b:s0+s1] =	stream.linear.scatter [tilespmem:s17], [sflag:$0x6], $0x4000, $0x38;
	[tilespmem:$0x14B80] =	vst v63  }
0x2e: {  	_ =	swait.ge [sflag:s21], $0x4000  }
0x2f: {  	[sflag:s21] =	ssyncset.done $0x0  }
0x30: {  	[sflag:s21] =	ssyncadd.s32 $0xFFFFC000  }
0x31: {  	[hbm4b:s6+s1] =	stream.linear.scatter [tilespmem:s15], [sflag:$0x7], $0x4000, $0x38;
	[tilespmem:$0x14B80] =	vst v63  }
0x32: {  	_ =	swait.ge [sflag:s19], $0x4000  }
0x33: {  	[sflag:s19] =	ssyncset.done $0x0  }
0x34: {  	[sflag:s19] =	ssyncadd.s32 $0xFFFFC000  }
0x35: {  	[hbm4b:s5+s1] =	stream.linear.scatter [tilespmem:s14], [sflag:$0x8], $0x4000, $0x38;
	[tilespmem:$0x14B80] =	vst v63  }
0x36: {  	_ =	swait.ge [sflag:s18], $0x4000  }
0x37: {  	[sflag:s18] =	ssyncset.done $0x0  }
0x38: {  	[sflag:s18] =	ssyncadd.s32 $0xFFFFC000  }
0x39: {  	[hbm4b:s4+s1] =	stream.linear.scatter [tilespmem:s11], [sflag:$0x9], $0x4000, $0x38;
	[tilespmem:$0x14B80] =	vst v63  }
0x3a: {  	_ =	swait.ge [sflag:s16], $0x4000  }
0x3b: {  	[sflag:s16] =	ssyncset.done $0x0  }
0x3c: {  	[sflag:s16] =	ssyncadd.s32 $0xFFFFC000  }
0x3d: {  	[hbm4b:s3+s1] =	stream.linear.scatter [tilespmem:s8], [sflag:$0xA], $0x4000, $0x38;
	[tilespmem:$0x14B80] =	vst v63  }
0x3e: {  	_ =	swait.ge [sflag:s13], $0x4000  }
0x3f: {  	[sflag:s13] =	ssyncset.done $0x0  }
0x40: {  	[sflag:s13] =	ssyncadd.s32 $0xFFFFC000  }
0x41: {  	_ =	swait.ge [sflag:s10], $0x4000  }
0x42: {  	[sflag:s10] =	ssyncset.done $0x0  }
0x43: {  	[sflag:s10] =	ssyncadd.s32 $0xFFFFC000  }
0x44: {  	_ =	swait.ge [sflag:s12], $0x4000  }
0x45: {  	s31 =	sadd.s32 $0xFFFFFFFF, s31;
	[sflag:s12] =	ssyncset.done $0x0  }
0x46: {  	p2 =	sne.s32 s31, $0x0;
	[sflag:s12] =	ssyncadd.s32 $0xFFFFC000  }
.Ltmp1:
0x47: {  	_ =	swait.ge [sflag:s9], $0x4000;
	(pc) =	sbr.rel @!p2 .LBB2_2-.Ltmp1, $4  }
0x48: {  	[sflag:s9] =	ssyncset.done $0x0  }
0x49: {  	[sflag:s9] =	ssyncadd.s32 $0xFFFFC000  }
0x4a: {  	_ =	swait.ge [sflag:s7], $0x4000  }
0x4b: {  	p1 =	por $0x1, $0x1;
	s0 =	rddreg [dreg:$0x5];
	[sflag:s7] =	ssyncset.done $0x0  }
.LBB2_3:
0x4c: {  	[sflag:s7] =	ssyncadd.s32 $0xFFFFC000  }
0x4d: {  	[spmem:s28], [sflag:s29] =	dma.local @!p0 [hbm:s0], $0x1200  }
0x4e: {  	_ =	swait.ge @!p0 [sflag:s30], $0x1200  }
0x4f: {  	[sflag:s30] =	ssyncset.done @!p0 $0x0  }
0x50: {  	s0 =	rddreg [dreg:$0x6];
	[sflag:s30] =	ssyncadd.s32 @!p0 $0xFFFFEE00  }
0x51: {  	[tilespmem:s1], [sflag:$0xB] =	stream.linear.gather [hbm4b:s0+s1], $0x280, $0x38;
	[tilespmem:$0x14B80] =	vst v63  }
0x52: {  	_ =	swait.ge [sflag:s22], $0x280  }
0x53: {  	[sflag:s22] =	ssyncset.done $0x0  }
0x54: {  	[sflag:s22] =	ssyncadd.s32 $0xFFFFFD80  }
0x55: {  	[bflag:$0x0] =	sbarrier.arrive $0xFFFF  }
0x56: {  	[tilespmem:s17], [sflag:$0x1] =	stream.indirect.gather [spmem:s2], $0x80, s1, s20, $0xb8;
	[tilespmem:$0x14B80] =	vst v63  }
0x57: {  	_ = 	snop  }
0x58: {  	[tilespmem:s15], [sflag:$0x2] =	stream.indirect.gather [spmem:s2], $0x80, s20, s20, $0xb8;
	[tilespmem:$0x14B80] =	vst v63  }
0x59: {  	_ = 	snop  }
0x5a: {  	[tilespmem:s14], [sflag:$0x3] =	stream.indirect.gather [spmem:s2], $0x80, s23, s20, $0xb8;
	[tilespmem:$0x14B80] =	vst v63  }
0x5b: {  	_ = 	snop  }
0x5c: {  	[tilespmem:s11], [sflag:$0x4] =	stream.indirect.gather [spmem:s2], $0x80, s25, s20, $0xb8;
	[tilespmem:$0x14B80] =	vst v63  }
0x5d: {  	_ = 	snop  }
0x5e: {  	[tilespmem:s8], [sflag:$0x5] =	stream.indirect.gather [spmem:s2], $0x80, s26, s20, $0xb8;
	[tilespmem:$0x14B80] =	vst v63  }
0x5f: {  	_ =	swait.ge [sflag:s24], $0x4000  }
0x60: {  	[sflag:s24] =	ssyncset.done $0x0  }
0x61: {  	s0 =	rddreg [dreg:$0x7];
	[sflag:s24] =	ssyncadd.s32 $0xFFFFC000  }
0x62: {  	[hbm4b:s0+s1] =	stream.linear.scatter [tilespmem:s17], [sflag:$0x6], $0x4000, $0x38;
	[tilespmem:$0x14B80] =	vst v63  }
0x63: {  	_ =	swait.ge [sflag:s21], $0x4000  }
0x64: {  	[sflag:s21] =	ssyncset.done $0x0  }
0x65: {  	[sflag:s21] =	ssyncadd.s32 $0xFFFFC000  }
0x66: {  	[hbm4b:s6+s1] =	stream.linear.scatter [tilespmem:s15], [sflag:$0x7], $0x4000, $0x38;
	[tilespmem:$0x14B80] =	vst v63  }
0x67: {  	_ =	swait.ge [sflag:s19], $0x4000  }
0x68: {  	[sflag:s19] =	ssyncset.done $0x0  }
0x69: {  	[sflag:s19] =	ssyncadd.s32 $0xFFFFC000  }
0x6a: {  	[hbm4b:s5+s1] =	stream.linear.scatter [tilespmem:s14], [sflag:$0x8], $0x4000, $0x38;
	[tilespmem:$0x14B80] =	vst v63  }
0x6b: {  	_ =	swait.ge [sflag:s18], $0x4000  }
0x6c: {  	[sflag:s18] =	ssyncset.done $0x0  }
0x6d: {  	[sflag:s18] =	ssyncadd.s32 $0xFFFFC000  }
0x6e: {  	[hbm4b:s4+s1] =	stream.linear.scatter [tilespmem:s11], [sflag:$0x9], $0x4000, $0x38;
	[tilespmem:$0x14B80] =	vst v63  }
0x6f: {  	_ =	swait.ge [sflag:s16], $0x4000  }
0x70: {  	[sflag:s16] =	ssyncset.done $0x0  }
0x71: {  	[sflag:s16] =	ssyncadd.s32 $0xFFFFC000  }
0x72: {  	[hbm4b:s3+s1] =	stream.linear.scatter [tilespmem:s8], [sflag:$0xA], $0x4000, $0x38;
	[tilespmem:$0x14B80] =	vst v63  }
0x73: {  	_ =	swait.ge [sflag:s13], $0x4000  }
0x74: {  	[sflag:s13] =	ssyncset.done $0x0  }
0x75: {  	[sflag:s13] =	ssyncadd.s32 $0xFFFFC000  }
0x76: {  	_ =	swait.ge [sflag:s10], $0x4000  }
0x77: {  	[sflag:s10] =	ssyncset.done $0x0  }
0x78: {  	[sflag:s10] =	ssyncadd.s32 $0xFFFFC000  }
0x79: {  	_ =	swait.ge [sflag:s12], $0x4000  }
0x7a: {  	s31 =	sadd.s32 $0xFFFFFFFF, s31;
	[sflag:s12] =	ssyncset.done $0x0  }
0x7b: {  	p2 =	sne.s32 s31, $0x0;
	[sflag:s12] =	ssyncadd.s32 $0xFFFFC000  }
.Ltmp2:
0x7c: {  	_ =	swait.ge [sflag:s9], $0x4000;
	(pc) =	sbr.rel @p2 .LBB2_3-.Ltmp2, $4  }
0x7d: {  	[sflag:s9] =	ssyncset.done $0x0  }
0x7e: {  	[sflag:s9] =	ssyncadd.s32 $0xFFFFC000  }
0x7f: {  	_ =	swait.ge [sflag:s7], $0x4000  }
0x80: {  	s0 =	rddreg [dreg:$0x5];
	[sflag:s7] =	ssyncset.done $0x0  }
0x81: {  	s30 =	rddreg [dreg:$0x4]  }
.LBB2_5:
0x82: {  	[sflag:s7] =	ssyncadd.s32 @p1 $0xFFFFC000;
	s29 =	simm.s32 @!p0 $0x1C0B  }
0x83: {  	[spmem:s28], [sflag:s29] =	dma.local @!p0 [hbm:s0], $0x1200  }
0x84: {  	s0 =	simm.s32 @!p0 $0xB  }
0x85: {  	_ =	swait.ge @!p0 [sflag:s0], $0x1200  }
0x86: {  	[sflag:s0] =	ssyncset.done @!p0 $0x0  }
0x87: {  	s29 =	rddreg [dreg:$0x6];
	[sflag:s0] =	ssyncadd.s32 @!p0 $0xFFFFEE00  }
0x88: {  	[tilespmem:s1], [sflag:$0xB] =	stream.linear.gather [hbm4b:s29+s1], $0x280, $0x38;
	[tilespmem:$0x14B80] =	vst v63  }
0x89: {  	_ =	swait.ge [sflag:s22], $0x280  }
0x8a: {  	[sflag:s22] =	ssyncset.done $0x0  }
0x8b: {  	[sflag:s22] =	ssyncadd.s32 $0xFFFFFD80  }
0x8c: {  	[bflag:$0x0] =	sbarrier.arrive $0xFFFF  }
0x8d: {  	[tilespmem:s17], [sflag:$0x1] =	stream.indirect.gather [spmem:s2], $0x80, s1, s20, $0xb8;
	[tilespmem:$0x14B80] =	vst v63  }
0x8e: {  	_ = 	snop  }
0x8f: {  	[tilespmem:s15], [sflag:$0x2] =	stream.indirect.gather [spmem:s2], $0x80, s20, s20, $0xb8;
	[tilespmem:$0x14B80] =	vst v63  }
0x90: {  	_ = 	snop  }
0x91: {  	[tilespmem:s14], [sflag:$0x3] =	stream.indirect.gather [spmem:s2], $0x80, s23, s20, $0xb8;
	[tilespmem:$0x14B80] =	vst v63  }
0x92: {  	_ = 	snop  }
0x93: {  	[tilespmem:s11], [sflag:$0x4] =	stream.indirect.gather [spmem:s2], $0x80, s25, s20, $0xb8;
	[tilespmem:$0x14B80] =	vst v63  }
0x94: {  	_ = 	snop  }
0x95: {  	[tilespmem:s8], [sflag:$0x5] =	stream.indirect.gather [spmem:s2], $0x80, s26, s20, $0xb8;
	[tilespmem:$0x14B80] =	vst v63  }
0x96: {  	_ =	swait.ge [sflag:s24], $0x4000  }
0x97: {  	[sflag:s24] =	ssyncset.done $0x0  }
0x98: {  	s31 =	rddreg [dreg:$0x7];
	[sflag:s24] =	ssyncadd.s32 $0xFFFFC000  }
0x99: {  	[hbm4b:s31+s1] =	stream.linear.scatter [tilespmem:s17], [sflag:$0x6], $0x4000, $0x38;
	[tilespmem:$0x14B80] =	vst v63  }
0x9a: {  	_ =	swait.ge [sflag:s21], $0x4000  }
0x9b: {  	[sflag:s21] =	ssyncset.done $0x0  }
0x9c: {  	[sflag:s21] =	ssyncadd.s32 $0xFFFFC000  }
0x9d: {  	[hbm4b:s6+s1] =	stream.linear.scatter [tilespmem:s15], [sflag:$0x7], $0x4000, $0x38;
	[tilespmem:$0x14B80] =	vst v63  }
0x9e: {  	_ =	swait.ge [sflag:s19], $0x4000  }
0x9f: {  	[sflag:s19] =	ssyncset.done $0x0  }
0xa0: {  	[sflag:s19] =	ssyncadd.s32 $0xFFFFC000  }
0xa1: {  	[hbm4b:s5+s1] =	stream.linear.scatter [tilespmem:s14], [sflag:$0x8], $0x4000, $0x38;
	[tilespmem:$0x14B80] =	vst v63  }
0xa2: {  	_ =	swait.ge [sflag:s18], $0x4000  }
0xa3: {  	[sflag:s18] =	ssyncset.done $0x0  }
0xa4: {  	[sflag:s18] =	ssyncadd.s32 $0xFFFFC000  }
0xa5: {  	[hbm4b:s4+s1] =	stream.linear.scatter [tilespmem:s11], [sflag:$0x9], $0x4000, $0x38;
	[tilespmem:$0x14B80] =	vst v63  }
0xa6: {  	_ =	swait.ge [sflag:s16], $0x4000  }
0xa7: {  	[sflag:s16] =	ssyncset.done $0x0  }
0xa8: {  	[sflag:s16] =	ssyncadd.s32 $0xFFFFC000  }
0xa9: {  	[hbm4b:s3+s1] =	stream.linear.scatter [tilespmem:s8], [sflag:$0xA], $0x4000, $0x38;
	[tilespmem:$0x14B80] =	vst v63  }
0xaa: {  	_ =	swait.ge [sflag:s13], $0x4000  }
0xab: {  	[sflag:s13] =	ssyncset.done $0x0  }
0xac: {  	[sflag:s13] =	ssyncadd.s32 $0xFFFFC000  }
0xad: {  	_ =	swait.ge [sflag:s10], $0x4000  }
0xae: {  	[sflag:s10] =	ssyncset.done $0x0  }
0xaf: {  	[sflag:s10] =	ssyncadd.s32 $0xFFFFC000  }
0xb0: {  	_ =	swait.ge [sflag:s12], $0x4000  }
0xb1: {  	[sflag:s12] =	ssyncset.done $0x0  }
0xb2: {  	[sflag:s12] =	ssyncadd.s32 $0xFFFFC000  }
0xb3: {  	_ =	swait.ge [sflag:s9], $0x4000  }
0xb4: {  	[sflag:s9] =	ssyncset.done $0x0  }
0xb5: {  	[sflag:s9] =	ssyncadd.s32 $0xFFFFC000  }
0xb6: {  	_ =	swait.ge [sflag:s7], $0x4000  }
0xb7: {  	[sflag:s7] =	ssyncset.done $0x0  }
0xb8: {  	[sflag:s7] =	ssyncadd.s32 $0xFFFFC000  }
0xb9: {  	_ =	sfence.sel $0x180000  }
0xba: {  	[bflag:$0x0] =	sbarrier.arrive $0xFFFF  }
0xbb: {  	_ =	strace $0x90000047  }
0xbc: {  	s0 =	sadd.s32 @!p0 $0x100000, s30;
	[bflag:$0x2] =	sbarrier.arrive $0xFFFF  }
0xbd: {  	[sflag:s0] =	ssyncadd.tile.s32 @!p0 $0x1;
	_ =	shalt  }
.LBB2_2:
.Ltmp3:
0xbe: {  	(pc) =	sbr.rel .LBB2_5-.Ltmp3, $2  }
0xbf: {  	_ =	sdelay $0x2  }
0xc0: {  	s30 =	rddreg [dreg:$0x4]  }
.Lfunc_end2:
_tile_overlayer_lowered:
.L_overlay_start_2:
0xc1: {  	(tag) =	ssettag $0x2  }
0xc2: {  	s0 =	rddreg [dreg:$0x0];
	s2 =	stileid.u32  }
0xc3: {  	s1 =	rddreg [dreg:$0x1];
	p0 =	sne.s32 s2, $0x0  }
0xc4: {  	s3 =	rddreg [dreg:$0x2];
	[bflag:$0x3] =	sbarrier.arrive $0xFFFF;
	s2 =	simm.s32 @!p0 $0x1C0B  }
0xc5: {  	[timem:s3], [sflag:s2] =	dma.local @!p0 [hbm:s0], s1  }
0xc6: {  	s0 =	simm.s32 @!p0 $0xB  }
0xc7: {  	_ =	swait.ge @!p0 [sflag:s0], s1  }
0xc8: {  	s1 =	ssub.s32 @!p0 $0x0, s1;
	[sflag:s0] =	ssyncset.done @!p0 $0x0  }
0xc9: {  	[sflag:s0] =	ssyncadd.s32 @!p0 s1  }
0xca: {  	[bflag:$0x3] =	sbarrier.arrive $0xFFFF  }
0xcb: {  	_ =	shalt  }

</sc_bundles>
